<compile_context>
chip_gen: v7x
topology: tpu7x:2x2x1
jax: 0.10.2.dev20260603
libtpu: 0.0.44.dev20260713+nightly
codegen_flags: <defaults>
</compile_context>

<pallas_src>
import functools
import math

import jax
import jax.numpy as jnp
from jax import lax
from jax.experimental import pallas as pl
from jax.experimental.pallas import tpu as pltpu
from jax.experimental.pallas import tpu_sc as plsc

N_CLASSES = 256
VEC_LEN = 256
NUM_GROUP = 16
NCPG = N_CLASSES // NUM_GROUP
TARGET_SCALE = 0.06
B0, CH, T0 = 4, VEC_LEN, 256
NTOK = B0 * T0


def _tc_body(x0_ref, e_ref, idx_ref, gs_ref, perp_ref):
    tn = TARGET_SCALE * math.sqrt(CH)
    xf_parts = []
    for b in range(B0):
        xb = x0_ref[b]
        n2 = jnp.sum(xb * xb, axis=0, keepdims=True)
        xf_parts.append(tn * xb / jnp.sqrt(n2))
    xf = jnp.concatenate(xf_parts, axis=0)

    ev = e_ref[...]
    en2 = jnp.sum(ev * ev, axis=1, keepdims=True)
    en = tn * ev / jnp.sqrt(en2)

    ones_row = jnp.ones((1, VEC_LEN), jnp.float32)
    rn2_row = lax.dot_general(
        ones_row, xf * xf, (((1,), (1,)), ((), ())),
        precision=lax.Precision.HIGHEST, preferred_element_type=jnp.float32)
    en2_col = jnp.sum(en * en, axis=1, keepdims=True)

    gt = lax.dot_general(
        en, xf, (((1,), (1,)), ((), ())),
        precision=lax.Precision.HIGHEST,
        preferred_element_type=jnp.float32)
    d2 = jnp.maximum(en2_col + rn2_row - 2.0 * gt, 0.0)
    d = jnp.sqrt(d2)

    gg2 = lax.broadcasted_iota(jnp.int32, (NUM_GROUP, N_CLASSES), 0)
    jj2 = lax.broadcasted_iota(jnp.int32, (NUM_GROUP, N_CLASSES), 1)
    grp2 = jnp.where(jj2 // NCPG == gg2, 1.0, 0.0).astype(jnp.float32)

    dg = lax.dot_general(
        grp2, d, (((1,), (0,)), ((), ())),
        precision=lax.Precision.HIGHEST,
        preferred_element_type=jnp.float32) * (1.0 / NCPG)

    dmin = jnp.min(dg, axis=0, keepdims=True)
    ii = lax.broadcasted_iota(jnp.int32, (NUM_GROUP, NTOK), 0)
    idx = jnp.min(jnp.where(dg == dmin, ii, NUM_GROUP), axis=0, keepdims=True)
    idx_ref[...] = idx

    gs_ref[...] = lax.dot_general(
        grp2, en, (((1,), (0,)), ((), ())),
        precision=lax.Precision.HIGHEST, preferred_element_type=jnp.float32)

    cls = lax.broadcasted_iota(jnp.int32, (N_CLASSES, NTOK), 0) // NCPG
    sel = cls == idx
    p = 1.0 / d
    mp = jnp.where(sel, p, 0.0)
    s = jnp.sum(mp * jnp.log(mp + 1e-10))
    perp_ref[...] = jnp.broadcast_to(jnp.exp(-s), (1, 1))


_tc_call = pl.pallas_call(
    _tc_body,
    out_shape=[
        jax.ShapeDtypeStruct((1, NTOK), jnp.int32),
        jax.ShapeDtypeStruct((NUM_GROUP, VEC_LEN), jnp.float32),
        jax.ShapeDtypeStruct((1, 1), jnp.float32),
    ],
)

_NC, _NS = 2, 16
_NW = _NC * _NS
_BPW = NTOK // _NW
_L = 16


def _sc_gather_body(gs_hbm, idx_hbm, out_hbm, idx_v, rows_v, s0, s1, s2, s3):
    wid = lax.axis_index("s") * _NC + lax.axis_index("c")
    base = wid * _BPW
    half = _BPW // 2

    pltpu.sync_copy(idx_hbm.at[0, pl.ds(base, _BPW)], idx_v)
    g0 = pltpu.async_copy(
        gs_hbm.at[idx_v.at[pl.ds(0, half)]], rows_v.at[pl.ds(0, half)], s0)
    g1 = pltpu.async_copy(
        gs_hbm.at[idx_v.at[pl.ds(half, half)]], rows_v.at[pl.ds(half, half)],
        s1)
    g0.wait()
    o0 = pltpu.async_copy(
        rows_v.at[pl.ds(0, half)], out_hbm.at[pl.ds(base, half)], s2)
    g1.wait()
    o1 = pltpu.async_copy(
        rows_v.at[pl.ds(half, half)], out_hbm.at[pl.ds(base + half, half)],
        s3)
    o0.wait()
    o1.wait()


@functools.cache
def _sc_gather():
    return pl.kernel(
        _sc_gather_body,
        mesh=plsc.VectorSubcoreMesh(
            core_axis_name="c", subcore_axis_name="s",
            num_cores=_NC, num_subcores=_NS),
        out_type=jax.ShapeDtypeStruct((NTOK, VEC_LEN), jnp.float32),
        scratch_types=[
            pltpu.VMEM((_BPW,), jnp.int32),
            pltpu.VMEM((_BPW, VEC_LEN), jnp.float32),
            pltpu.SemaphoreType.DMA,
            pltpu.SemaphoreType.DMA,
            pltpu.SemaphoreType.DMA,
            pltpu.SemaphoreType.DMA,
        ],
        compiler_params=pltpu.CompilerParams(needs_layout_passes=False),
    )


def kernel(x0, embedding0):
    idx, gs, perp = _tc_call(x0, embedding0)
    quant = _sc_gather()(gs, idx)
    return quant, jnp.reshape(perp, ())

# --- scband reference (transcript-rebuilt; emitter-appended) ---
"""Pipeline reference for scband-gourp-vector-quantize-3272765079617 (READ-ONLY COPY).

The authoritative reference and input builder live on the scoring server;
editing this copy changes nothing except your own understanding.
"""

import jax, jax.numpy as jnp
import numpy as np
import math

N_CLASSES = 256
VEC_LEN = 256
NUM_GROUP = 16
NUM_CLASSES_PER_GROUP = N_CLASSES // NUM_GROUP
TARGET_SCALE = 0.06


def setup_inputs(seed: int = 0) -> dict:
    key = jax.random.key(seed)
    k1, k2 = jax.random.split(key)
    x0 = jax.random.normal(k1, (4, VEC_LEN, 256), dtype=jnp.float32)
    embedding0 = jax.random.normal(k2, (N_CLASSES, VEC_LEN), dtype=jnp.float32) * TARGET_SCALE
    return {"x0": x0, "embedding0": embedding0}


def reference(x0, embedding0):
    B, CH, T = x0.shape
    target_norm = TARGET_SCALE * math.sqrt(CH)
    # normalize inputs and codebook rows to the same target norm
    x = target_norm * x0 / jnp.linalg.norm(x0, axis=1, keepdims=True)
    embedding = target_norm * embedding0 / jnp.linalg.norm(embedding0, axis=1, keepdims=True)
    # flatten tokens (raw reshape, matching torch .view on [B, CH, T])
    x = x.reshape(B * T, 1, CH)
    # pairwise L2 distances to all codewords: [B*T, n_classes]
    d = jnp.linalg.norm(x - embedding[None, :, :], axis=2)
    # per-group mean distance; num_group == num_classes_per_group here so the
    # original slicing d[:, i*num_group:(i+1)*num_group] equals contiguous groups
    d_group = jnp.mean(d.reshape(B * T, NUM_GROUP, NUM_CLASSES_PER_GROUP), axis=2)
    index_group = jnp.argmin(d_group, axis=1)[:, None]  # [B*T, 1]
    index_group = jnp.tile(index_group, (1, NUM_CLASSES_PER_GROUP))
    index_group = NUM_CLASSES_PER_GROUP * index_group
    idx_mtx = jnp.arange(NUM_CLASSES_PER_GROUP, dtype=index_group.dtype)[None, :]
    index_group = index_group + idx_mtx  # [B*T, num_classes_per_group]
    # one-hot group mask via scatter-overwrite
    rows = jnp.arange(B * T)[:, None]
    encoding_mask = jnp.zeros((B * T, N_CLASSES), dtype=x0.dtype).at[rows, index_group].set(1.0)
    encoding_prob = 1.0 / d
    masked_encoding_prob = encoding_mask * encoding_prob
    perp = jnp.exp(-1.0 * jnp.sum(masked_encoding_prob * jnp.log(masked_encoding_prob + 1e-10)))
    quant = jnp.matmul(encoding_mask, embedding)  # [B*T, vec_len]
    return quant, perp

if __name__ == "__main__":
    import jax
    _d = setup_inputs()
    print(jax.jit(kernel)(*tuple(_d.values())))

</pallas_src>

<mosaic_0001>
#map = affine_map<(d0, d1) -> (0, 0)>
module attributes {stable_mosaic.version = 14 : i64} {
  func.func @_sc_gather_body(%arg0: i32, %arg1: i32, %arg2: memref<16x256xf32, #tpu.memory_space<hbm>>, %arg3: memref<1x1024xi32, #tpu.memory_space<hbm>>, %arg4: memref<1024x256xf32, #tpu.memory_space<hbm>>, %arg5: memref<32xi32, #tpu.memory_space<vmem>>, %arg6: memref<32x256xf32, #tpu.memory_space<vmem>>, %arg7: memref<!tpu.dma_semaphore, #tpu.memory_space<semaphore_mem>>, %arg8: memref<!tpu.dma_semaphore, #tpu.memory_space<semaphore_mem>>, %arg9: memref<!tpu.dma_semaphore, #tpu.memory_space<semaphore_mem>>, %arg10: memref<!tpu.dma_semaphore, #tpu.memory_space<semaphore_mem>>) attributes {dimension_semantics = [#tpu.dimension_semantics<core_parallel>, #tpu.dimension_semantics<subcore_parallel>], iteration_bounds = array<i64: 2, 16>, scalar_prefetch = 0 : i64, scratch_operands = 6 : i64, tpu.core_type = #tpu.core_type<sc_vector_subcore>, window_params = [{transform_indices = #map}, {transform_indices = #map}, {transform_indices = #map}]} {
    %mul3A = arith.constant 2 : i32
    %mul3A_0 = arith.muli %arg1, %mul3A : i32
    %add3A = arith.addi %mul3A_0, %arg0 : i32
    %mul3A_1 = arith.constant 32 : i32
    %mul3A_2 = arith.muli %add3A, %mul3A_1 : i32
    %run_scoped3A = arith.constant 0 : i32
    "tpu.region"() ({
      %run_scoped3A_75 = tpu.sem_alloc : memref<!tpu.dma_semaphore, #tpu.memory_space<semaphore_mem>>
      %dma_start3A_76 = tpu.memref_slice %arg3[%run_scoped3A, %mul3A_2] : memref<1x1024xi32, #tpu.memory_space<hbm>> -> memref<1x32xi32, #tpu.memory_space<hbm>>
      %dma_start3A_77 = tpu.memref_squeeze %dma_start3A_76 : memref<1x32xi32, #tpu.memory_space<hbm>> -> memref<32xi32, #tpu.memory_space<hbm>>
      %dma_start3A_78 = tpu.memref_slice %arg3[%run_scoped3A, %mul3A_2] : memref<1x1024xi32, #tpu.memory_space<hbm>> -> memref<1x32xi32, #tpu.memory_space<hbm>>
      %dma_start3A_79 = tpu.memref_squeeze %dma_start3A_78 : memref<1x32xi32, #tpu.memory_space<hbm>> -> memref<32xi32, #tpu.memory_space<hbm>>
      tpu.enqueue_dma source(%dma_start3A_79 : memref<32xi32, #tpu.memory_space<hbm>>) target(%arg5 : memref<32xi32, #tpu.memory_space<vmem>>) target_semaphore(%run_scoped3A_75 : memref<!tpu.dma_semaphore, #tpu.memory_space<semaphore_mem>>)
      %dma_wait3A_80 = tpu.memref_slice %arg3[%run_scoped3A, %mul3A_2] : memref<1x1024xi32, #tpu.memory_space<hbm>> -> memref<1x32xi32, #tpu.memory_space<hbm>>
      %dma_wait3A_81 = tpu.memref_squeeze %dma_wait3A_80 : memref<1x32xi32, #tpu.memory_space<hbm>> -> memref<32xi32, #tpu.memory_space<hbm>>
      %dma_wait3A_82 = tpu.memref_slice %arg3[%run_scoped3A, %mul3A_2] : memref<1x1024xi32, #tpu.memory_space<hbm>> -> memref<1x32xi32, #tpu.memory_space<hbm>>
      %dma_wait3A_83 = tpu.memref_squeeze %dma_wait3A_82 : memref<1x32xi32, #tpu.memory_space<hbm>> -> memref<32xi32, #tpu.memory_space<hbm>>
      tpu.wait_dma2 semaphore(%run_scoped3A_75 : memref<!tpu.dma_semaphore, #tpu.memory_space<semaphore_mem>>) src(%dma_wait3A_83 : memref<32xi32, #tpu.memory_space<hbm>>) dst(%arg5 : memref<32xi32, #tpu.memory_space<vmem>>)
      tpu.yield
    }) : () -> ()
    %dma_start3A = arith.constant 0 : i32
    %dma_start3A_3 = arith.constant 0 : i32
    %dma_start3A_4 = tpu.memref_slice %arg6[%dma_start3A, %dma_start3A_3] : memref<32x256xf32, #tpu.memory_space<vmem>> -> memref<16x256xf32, #tpu.memory_space<vmem>>
    %dma_start3A_5 = arith.constant 0 : i32
    %dma_start3A_6 = tpu.memref_slice %arg5[%dma_start3A_5] : memref<32xi32, #tpu.memory_space<vmem>> -> memref<16xi32, #tpu.memory_space<vmem>>
    %dma_start3A_7 = arith.constant 0 : i32
    %dma_start3A_8 = arith.constant 0 : i32
    %dma_start3A_9 = tpu.memref_slice %arg2[%dma_start3A_7, %dma_start3A_8] : memref<16x256xf32, #tpu.memory_space<hbm>> -> memref<16x256xf32, #tpu.memory_space<hbm>>
    tpu.enqueue_indirect_dma source(%dma_start3A_9 : memref<16x256xf32, #tpu.memory_space<hbm>>) target(%dma_start3A_4 : memref<16x256xf32, #tpu.memory_space<vmem>>) offsets(%dma_start3A_6 : memref<16xi32, #tpu.memory_space<vmem>>) semaphore(%arg7 : memref<!tpu.dma_semaphore, #tpu.memory_space<semaphore_mem>>)
    %dma_start3A_10 = arith.constant 16 : i32
    %dma_start3A_11 = arith.constant 0 : i32
    %dma_start3A_12 = tpu.memref_slice %arg6[%dma_start3A_10, %dma_start3A_11] : memref<32x256xf32, #tpu.memory_space<vmem>> -> memref<16x256xf32, #tpu.memory_space<vmem>>
    %dma_start3A_13 = arith.constant 16 : i32
    %dma_start3A_14 = tpu.memref_slice %arg5[%dma_start3A_13] : memref<32xi32, #tpu.memory_space<vmem>> -> memref<16xi32, #tpu.memory_space<vmem>>
    %dma_start3A_15 = arith.constant 0 : i32
    %dma_start3A_16 = arith.constant 0 : i32
    %dma_start3A_17 = tpu.memref_slice %arg2[%dma_start3A_15, %dma_start3A_16] : memref<16x256xf32, #tpu.memory_space<hbm>> -> memref<16x256xf32, #tpu.memory_space<hbm>>
    tpu.enqueue_indirect_dma source(%dma_start3A_17 : memref<16x256xf32, #tpu.memory_space<hbm>>) target(%dma_start3A_12 : memref<16x256xf32, #tpu.memory_space<vmem>>) offsets(%dma_start3A_14 : memref<16xi32, #tpu.memory_space<vmem>>) semaphore(%arg8 : memref<!tpu.dma_semaphore, #tpu.memory_space<semaphore_mem>>)
    %dma_wait3A = arith.constant 0 : i32
    %dma_wait3A_18 = arith.constant 0 : i32
    %dma_wait3A_19 = tpu.memref_slice %arg6[%dma_wait3A, %dma_wait3A_18] : memref<32x256xf32, #tpu.memory_space<vmem>> -> memref<16x256xf32, #tpu.memory_space<vmem>>
    %dma_wait3A_20 = arith.constant 0 : i32
    %dma_wait3A_21 = tpu.memref_slice %arg5[%dma_wait3A_20] : memref<32xi32, #tpu.memory_space<vmem>> -> memref<16xi32, #tpu.memory_space<vmem>>
    %dma_wait3A_22 = arith.constant 0 : i32
    %dma_wait3A_23 = arith.constant 0 : i32
    %dma_wait3A_24 = tpu.memref_slice %arg2[%dma_wait3A_22, %dma_wait3A_23] : memref<16x256xf32, #tpu.memory_space<hbm>> -> memref<16x256xf32, #tpu.memory_space<hbm>>
    tpu.wait_indirect_dma semaphore(%arg7 : memref<!tpu.dma_semaphore, #tpu.memory_space<semaphore_mem>>) src(%dma_wait3A_24 : memref<16x256xf32, #tpu.memory_space<hbm>>) dst(%dma_wait3A_19 : memref<16x256xf32, #tpu.memory_space<vmem>>)
    %dma_start3A_25 = arith.constant 0 : i32
    %dma_start3A_26 = arith.constant 0 : i32
    %dma_start3A_27 = tpu.memref_slice %arg6[%dma_start3A_25, %dma_start3A_26] : memref<32x256xf32, #tpu.memory_space<vmem>> -> memref<16x256xf32, #tpu.memory_space<vmem>>
    %dma_start3A_28 = arith.constant 0 : i32
    %dma_start3A_29 = tpu.memref_slice %arg4[%mul3A_2, %dma_start3A_28] : memref<1024x256xf32, #tpu.memory_space<hbm>> -> memref<16x256xf32, #tpu.memory_space<hbm>>
    %dma_start3A_30 = arith.constant 0 : i32
    %dma_start3A_31 = tpu.memref_slice %arg4[%mul3A_2, %dma_start3A_30] : memref<1024x256xf32, #tpu.memory_space<hbm>> -> memref<16x256xf32, #tpu.memory_space<hbm>>
    %dma_start3A_32 = arith.constant 0 : i32
    %dma_start3A_33 = arith.constant 0 : i32
    %dma_start3A_34 = tpu.memref_slice %arg6[%dma_start3A_32, %dma_start3A_33] : memref<32x256xf32, #tpu.memory_space<vmem>> -> memref<16x256xf32, #tpu.memory_space<vmem>>
    tpu.enqueue_dma source(%dma_start3A_34 : memref<16x256xf32, #tpu.memory_space<vmem>>) target(%dma_start3A_31 : memref<16x256xf32, #tpu.memory_space<hbm>>) target_semaphore(%arg9 : memref<!tpu.dma_semaphore, #tpu.memory_space<semaphore_mem>>)
    %dma_wait3A_35 = arith.constant 16 : i32
    %dma_wait3A_36 = arith.constant 0 : i32
    %dma_wait3A_37 = tpu.memref_slice %arg6[%dma_wait3A_35, %dma_wait3A_36] : memref<32x256xf32, #tpu.memory_space<vmem>> -> memref<16x256xf32, #tpu.memory_space<vmem>>
    %dma_wait3A_38 = arith.constant 16 : i32
    %dma_wait3A_39 = tpu.memref_slice %arg5[%dma_wait3A_38] : memref<32xi32, #tpu.memory_space<vmem>> -> memref<16xi32, #tpu.memory_space<vmem>>
    %dma_wait3A_40 = arith.constant 0 : i32
    %dma_wait3A_41 = arith.constant 0 : i32
    %dma_wait3A_42 = tpu.memref_slice %arg2[%dma_wait3A_40, %dma_wait3A_41] : memref<16x256xf32, #tpu.memory_space<hbm>> -> memref<16x256xf32, #tpu.memory_space<hbm>>
    tpu.wait_indirect_dma semaphore(%arg8 : memref<!tpu.dma_semaphore, #tpu.memory_space<semaphore_mem>>) src(%dma_wait3A_42 : memref<16x256xf32, #tpu.memory_space<hbm>>) dst(%dma_wait3A_37 : memref<16x256xf32, #tpu.memory_space<vmem>>)
    %add3A_43 = arith.constant 16 : i32
    %add3A_44 = arith.addi %mul3A_2, %add3A_43 : i32
    %dma_start3A_45 = arith.constant 16 : i32
    %dma_start3A_46 = arith.constant 0 : i32
    %dma_start3A_47 = tpu.memref_slice %arg6[%dma_start3A_45, %dma_start3A_46] : memref<32x256xf32, #tpu.memory_space<vmem>> -> memref<16x256xf32, #tpu.memory_space<vmem>>
    %dma_start3A_48 = arith.constant 0 : i32
    %dma_start3A_49 = tpu.memref_slice %arg4[%add3A_44, %dma_start3A_48] : memref<1024x256xf32, #tpu.memory_space<hbm>> -> memref<16x256xf32, #tpu.memory_space<hbm>>
    %dma_start3A_50 = arith.constant 0 : i32
    %dma_start3A_51 = tpu.memref_slice %arg4[%add3A_44, %dma_start3A_50] : memref<1024x256xf32, #tpu.memory_space<hbm>> -> memref<16x256xf32, #tpu.memory_space<hbm>>
    %dma_start3A_52 = arith.constant 16 : i32
    %dma_start3A_53 = arith.constant 0 : i32
    %dma_start3A_54 = tpu.memref_slice %arg6[%dma_start3A_52, %dma_start3A_53] : memref<32x256xf32, #tpu.memory_space<vmem>> -> memref<16x256xf32, #tpu.memory_space<vmem>>
    tpu.enqueue_dma source(%dma_start3A_54 : memref<16x256xf32, #tpu.memory_space<vmem>>) target(%dma_start3A_51 : memref<16x256xf32, #tpu.memory_space<hbm>>) target_semaphore(%arg10 : memref<!tpu.dma_semaphore, #tpu.memory_space<semaphore_mem>>)
    %dma_wait3A_55 = arith.constant 0 : i32
    %dma_wait3A_56 = arith.constant 0 : i32
    %dma_wait3A_57 = tpu.memref_slice %arg6[%dma_wait3A_55, %dma_wait3A_56] : memref<32x256xf32, #tpu.memory_space<vmem>> -> memref<16x256xf32, #tpu.memory_space<vmem>>
    %dma_wait3A_58 = arith.constant 0 : i32
    %dma_wait3A_59 = tpu.memref_slice %arg4[%mul3A_2, %dma_wait3A_58] : memref<1024x256xf32, #tpu.memory_space<hbm>> -> memref<16x256xf32, #tpu.memory_space<hbm>>
    %dma_wait3A_60 = arith.constant 0 : i32
    %dma_wait3A_61 = tpu.memref_slice %arg4[%mul3A_2, %dma_wait3A_60] : memref<1024x256xf32, #tpu.memory_space<hbm>> -> memref<16x256xf32, #tpu.memory_space<hbm>>
    %dma_wait3A_62 = arith.constant 0 : i32
    %dma_wait3A_63 = arith.constant 0 : i32
    %dma_wait3A_64 = tpu.memref_slice %arg6[%dma_wait3A_62, %dma_wait3A_63] : memref<32x256xf32, #tpu.memory_space<vmem>> -> memref<16x256xf32, #tpu.memory_space<vmem>>
    tpu.wait_dma2 semaphore(%arg9 : memref<!tpu.dma_semaphore, #tpu.memory_space<semaphore_mem>>) src(%dma_wait3A_64 : memref<16x256xf32, #tpu.memory_space<vmem>>) dst(%dma_wait3A_61 : memref<16x256xf32, #tpu.memory_space<hbm>>)
    %dma_wait3A_65 = arith.constant 16 : i32
    %dma_wait3A_66 = arith.constant 0 : i32
    %dma_wait3A_67 = tpu.memref_slice %arg6[%dma_wait3A_65, %dma_wait3A_66] : memref<32x256xf32, #tpu.memory_space<vmem>> -> memref<16x256xf32, #tpu.memory_space<vmem>>
    %dma_wait3A_68 = arith.constant 0 : i32
    %dma_wait3A_69 = tpu.memref_slice %arg4[%add3A_44, %dma_wait3A_68] : memref<1024x256xf32, #tpu.memory_space<hbm>> -> memref<16x256xf32, #tpu.memory_space<hbm>>
    %dma_wait3A_70 = arith.constant 0 : i32
    %dma_wait3A_71 = tpu.memref_slice %arg4[%add3A_44, %dma_wait3A_70] : memref<1024x256xf32, #tpu.memory_space<hbm>> -> memref<16x256xf32, #tpu.memory_space<hbm>>
    %dma_wait3A_72 = arith.constant 16 : i32
    %dma_wait3A_73 = arith.constant 0 : i32
    %dma_wait3A_74 = tpu.memref_slice %arg6[%dma_wait3A_72, %dma_wait3A_73] : memref<32x256xf32, #tpu.memory_space<vmem>> -> memref<16x256xf32, #tpu.memory_space<vmem>>
    tpu.wait_dma2 semaphore(%arg10 : memref<!tpu.dma_semaphore, #tpu.memory_space<semaphore_mem>>) src(%dma_wait3A_74 : memref<16x256xf32, #tpu.memory_space<vmem>>) dst(%dma_wait3A_71 : memref<16x256xf32, #tpu.memory_space<hbm>>)
    return
  }
}

module attributes {stable_mosaic.version = 14 : i64} {
  func.func @_tc_body(%arg0: memref<4x256x256xf32, #tpu.memory_space<vmem>>, %arg1: memref<256x256xf32, #tpu.memory_space<vmem>>, %arg2: memref<1x1024xi32, #tpu.memory_space<vmem>>, %arg3: memref<16x256xf32, #tpu.memory_space<vmem>>, %arg4: memref<1x1xf32, #tpu.memory_space<vmem>>) attributes {dimension_semantics = [], scalar_prefetch = 0 : i64, scratch_operands = 0 : i64, tpu.core_type = #tpu.core_type<tc>} {
    %get3A = arith.constant 0 : index
    %get3A_0 = arith.constant 0 : index
    %get3A_1 = arith.constant 0 : index
    %get3A_2 = vector.load %arg0[%get3A, %get3A_0, %get3A_1] : memref<4x256x256xf32, #tpu.memory_space<vmem>>, vector<1x256x256xf32>
    %get3A_3 = vector.shape_cast %get3A_2 : vector<1x256x256xf32> to vector<256x256xf32>
    %mul3A = arith.mulf %get3A_3, %get3A_3 : vector<256x256xf32>
    %reduce_sum3A = arith.constant dense<0.000000e+00> : vector<256xf32>
    %reduce_sum3A_4 = vector.multi_reduction <add>, %mul3A, %reduce_sum3A [0] : vector<256x256xf32> to vector<256xf32>
    %broadcast_in_dim3A = vector.shape_cast %reduce_sum3A_4 : vector<256xf32> to vector<1x256xf32>
    %mul3A_5 = arith.constant 0.959999978 : f32
    %mul3A_6 = vector.broadcast %mul3A_5 : f32 to vector<256x256xf32>
    %mul3A_7 = arith.mulf %mul3A_6, %get3A_3 : vector<256x256xf32>
    %sqrt3A = math.sqrt %broadcast_in_dim3A : vector<1x256xf32>
    %div3A = vector.broadcast %sqrt3A : vector<1x256xf32> to vector<256x256xf32>
    %div3A_8 = arith.divf %mul3A_7, %div3A : vector<256x256xf32>
    %get3A_9 = arith.constant 1 : index
    %get3A_10 = arith.constant 0 : index
    %get3A_11 = arith.constant 0 : index
    %get3A_12 = vector.load %arg0[%get3A_9, %get3A_10, %get3A_11] : memref<4x256x256xf32, #tpu.memory_space<vmem>>, vector<1x256x256xf32>
    %get3A_13 = vector.shape_cast %get3A_12 : vector<1x256x256xf32> to vector<256x256xf32>
    %mul3A_14 = arith.mulf %get3A_13, %get3A_13 : vector<256x256xf32>
    %reduce_sum3A_15 = arith.constant dense<0.000000e+00> : vector<256xf32>
    %reduce_sum3A_16 = vector.multi_reduction <add>, %mul3A_14, %reduce_sum3A_15 [0] : vector<256x256xf32> to vector<256xf32>
    %broadcast_in_dim3A_17 = vector.shape_cast %reduce_sum3A_16 : vector<256xf32> to vector<1x256xf32>
    %mul3A_18 = arith.constant 0.959999978 : f32
    %mul3A_19 = vector.broadcast %mul3A_18 : f32 to vector<256x256xf32>
    %mul3A_20 = arith.mulf %mul3A_19, %get3A_13 : vector<256x256xf32>
    %sqrt3A_21 = math.sqrt %broadcast_in_dim3A_17 : vector<1x256xf32>
    %div3A_22 = vector.broadcast %sqrt3A_21 : vector<1x256xf32> to vector<256x256xf32>
    %div3A_23 = arith.divf %mul3A_20, %div3A_22 : vector<256x256xf32>
    %get3A_24 = arith.constant 2 : index
    %get3A_25 = arith.constant 0 : index
    %get3A_26 = arith.constant 0 : index
    %get3A_27 = vector.load %arg0[%get3A_24, %get3A_25, %get3A_26] : memref<4x256x256xf32, #tpu.memory_space<vmem>>, vector<1x256x256xf32>
    %get3A_28 = vector.shape_cast %get3A_27 : vector<1x256x256xf32> to vector<256x256xf32>
    %mul3A_29 = arith.mulf %get3A_28, %get3A_28 : vector<256x256xf32>
    %reduce_sum3A_30 = arith.constant dense<0.000000e+00> : vector<256xf32>
    %reduce_sum3A_31 = vector.multi_reduction <add>, %mul3A_29, %reduce_sum3A_30 [0] : vector<256x256xf32> to vector<256xf32>
    %broadcast_in_dim3A_32 = vector.shape_cast %reduce_sum3A_31 : vector<256xf32> to vector<1x256xf32>
    %mul3A_33 = arith.constant 0.959999978 : f32
    %mul3A_34 = vector.broadcast %mul3A_33 : f32 to vector<256x256xf32>
    %mul3A_35 = arith.mulf %mul3A_34, %get3A_28 : vector<256x256xf32>
    %sqrt3A_36 = math.sqrt %broadcast_in_dim3A_32 : vector<1x256xf32>
    %div3A_37 = vector.broadcast %sqrt3A_36 : vector<1x256xf32> to vector<256x256xf32>
    %div3A_38 = arith.divf %mul3A_35, %div3A_37 : vector<256x256xf32>
    %get3A_39 = arith.constant 3 : index
    %get3A_40 = arith.constant 0 : index
    %get3A_41 = arith.constant 0 : index
    %get3A_42 = vector.load %arg0[%get3A_39, %get3A_40, %get3A_41] : memref<4x256x256xf32, #tpu.memory_space<vmem>>, vector<1x256x256xf32>
    %get3A_43 = vector.shape_cast %get3A_42 : vector<1x256x256xf32> to vector<256x256xf32>
    %mul3A_44 = arith.mulf %get3A_43, %get3A_43 : vector<256x256xf32>
    %reduce_sum3A_45 = arith.constant dense<0.000000e+00> : vector<256xf32>
    %reduce_sum3A_46 = vector.multi_reduction <add>, %mul3A_44, %reduce_sum3A_45 [0] : vector<256x256xf32> to vector<256xf32>
    %broadcast_in_dim3A_47 = vector.shape_cast %reduce_sum3A_46 : vector<256xf32> to vector<1x256xf32>
    %mul3A_48 = arith.constant 0.959999978 : f32
    %mul3A_49 = vector.broadcast %mul3A_48 : f32 to vector<256x256xf32>
    %mul3A_50 = arith.mulf %mul3A_49, %get3A_43 : vector<256x256xf32>
    %sqrt3A_51 = math.sqrt %broadcast_in_dim3A_47 : vector<1x256xf32>
    %div3A_52 = vector.broadcast %sqrt3A_51 : vector<1x256xf32> to vector<256x256xf32>
    %div3A_53 = arith.divf %mul3A_50, %div3A_52 : vector<256x256xf32>
    %concatenate3A = tpu.concatenate %div3A_8, %div3A_23, %div3A_38, %div3A_53 in 0 : vector<256x256xf32>, vector<256x256xf32>, vector<256x256xf32>, vector<256x256xf32> -> vector<1024x256xf32>
    %get3A_54 = arith.constant 0 : index
    %get3A_55 = arith.constant 0 : index
    %get3A_56 = vector.load %arg1[%get3A_54, %get3A_55] : memref<256x256xf32, #tpu.memory_space<vmem>>, vector<256x256xf32>
    %mul3A_57 = arith.mulf %get3A_56, %get3A_56 : vector<256x256xf32>
    %reduce_sum3A_58 = arith.constant dense<0.000000e+00> : vector<256xf32>
    %reduce_sum3A_59 = vector.multi_reduction <add>, %mul3A_57, %reduce_sum3A_58 [1] : vector<256x256xf32> to vector<256xf32>
    %broadcast_in_dim3A_60 = vector.shape_cast %reduce_sum3A_59 : vector<256xf32> to vector<256x1xf32>
    %mul3A_61 = arith.constant 0.959999978 : f32
    %mul3A_62 = vector.broadcast %mul3A_61 : f32 to vector<256x256xf32>
    %mul3A_63 = arith.mulf %mul3A_62, %get3A_56 : vector<256x256xf32>
    %sqrt3A_64 = math.sqrt %broadcast_in_dim3A_60 : vector<256x1xf32>
    %div3A_65 = vector.broadcast %sqrt3A_64 : vector<256x1xf32> to vector<256x256xf32>
    %div3A_66 = arith.divf %mul3A_63, %div3A_65 : vector<256x256xf32>
    %broadcast_in_dim3A_67 = arith.constant 1.000000e+00 : f32
    %broadcast_in_dim3A_68 = vector.broadcast %broadcast_in_dim3A_67 : f32 to vector<1x256xf32>
    %mul3A_69 = arith.mulf %concatenate3A, %concatenate3A : vector<1024x256xf32>
    %dot_general3A = arith.constant dense<0.000000e+00> : vector<1x1024xf32>
    %dot_general3A_70 = tpu.matmul %broadcast_in_dim3A_68, %mul3A_69, %dot_general3A {dimension_numbers = #tpu.dot_dimension_numbers<[1], [1], [0], [0], [0, 0, 1, 0], [], []>, precision = #tpu.contract_precision<fp32>, transpose_lhs_hint = false} : vector<1x256xf32>, vector<1024x256xf32>, vector<1x1024xf32> -> vector<1x1024xf32>
    %mul3A_71 = arith.mulf %div3A_66, %div3A_66 : vector<256x256xf32>
    %reduce_sum3A_72 = arith.constant dense<0.000000e+00> : vector<256xf32>
    %reduce_sum3A_73 = vector.multi_reduction <add>, %mul3A_71, %reduce_sum3A_72 [1] : vector<256x256xf32> to vector<256xf32>
    %broadcast_in_dim3A_74 = vector.shape_cast %reduce_sum3A_73 : vector<256xf32> to vector<256x1xf32>
    %dot_general3A_75 = arith.constant dense<0.000000e+00> : vector<256x1024xf32>
    %dot_general3A_76 = tpu.matmul %div3A_66, %concatenate3A, %dot_general3A_75 {dimension_numbers = #tpu.dot_dimension_numbers<[1], [1], [0], [0], [0, 0, 1, 0], [], []>, precision = #tpu.contract_precision<fp32>, transpose_lhs_hint = false} : vector<256x256xf32>, vector<1024x256xf32>, vector<256x1024xf32> -> vector<256x1024xf32>
    %add3A = vector.broadcast %broadcast_in_dim3A_74 : vector<256x1xf32> to vector<256x1024xf32>
    %add3A_77 = vector.broadcast %dot_general3A_70 : vector<1x1024xf32> to vector<256x1024xf32>
    %add3A_78 = arith.addf %add3A, %add3A_77 : vector<256x1024xf32>
    %mul3A_79 = arith.constant 2.000000e+00 : f32
    %mul3A_80 = vector.broadcast %mul3A_79 : f32 to vector<256x1024xf32>
    %mul3A_81 = arith.mulf %mul3A_80, %dot_general3A_76 : vector<256x1024xf32>
    %sub3A = arith.subf %add3A_78, %mul3A_81 : vector<256x1024xf32>
    %max3A = arith.constant 0.000000e+00 : f32
    %max3A_82 = vector.broadcast %max3A : f32 to vector<256x1024xf32>
    %max3A_83 = arith.maximumf %sub3A, %max3A_82 : vector<256x1024xf32>
    %sqrt3A_84 = math.sqrt %max3A_83 : vector<256x1024xf32>
    %iota3A = tpu.iota {dimensions = array<i32: 0>} : vector<16x256xi32>
    %iota3A_85 = tpu.iota {dimensions = array<i32: 1>} : vector<16x256xi32>
    %jit3A = arith.constant 16 : i32
    %div3A_86 = vector.broadcast %jit3A : i32 to vector<16x256xi32>
    %div3A_87 = arith.divsi %iota3A_85, %div3A_86 : vector<16x256xi32>
    %sign3A = arith.constant 0 : i32
    %sign3A_88 = vector.broadcast %sign3A : i32 to vector<16x256xi32>
    %sign3A_89 = arith.cmpi sgt, %iota3A_85, %sign3A_88 : vector<16x256xi32>
    %sign3A_90 = arith.extui %sign3A_89 : vector<16x256xi1> to vector<16x256xi32>
    %sign3A_91 = arith.constant 0 : i32
    %sign3A_92 = vector.broadcast %sign3A_91 : i32 to vector<16x256xi32>
    %sign3A_93 = arith.cmpi slt, %iota3A_85, %sign3A_92 : vector<16x256xi32>
    %sign3A_94 = arith.extui %sign3A_93 : vector<16x256xi1> to vector<16x256xi32>
    %sign3A_95 = arith.subi %sign3A_90, %sign3A_94 : vector<16x256xi32>
    %sign3A_96 = arith.constant 0 : i32
    %sign3A_97 = arith.cmpi sgt, %jit3A, %sign3A_96 : i32
    %sign3A_98 = arith.extui %sign3A_97 : i1 to i32
    %sign3A_99 = arith.constant 0 : i32
    %sign3A_100 = arith.cmpi slt, %jit3A, %sign3A_99 : i32
    %sign3A_101 = arith.extui %sign3A_100 : i1 to i32
    %sign3A_102 = arith.subi %sign3A_98, %sign3A_101 : i32
    %ne3A = vector.broadcast %sign3A_102 : i32 to vector<16x256xi32>
    %ne3A_103 = arith.cmpi ne, %sign3A_95, %ne3A : vector<16x256xi32>
    %rem3A = vector.broadcast %jit3A : i32 to vector<16x256xi32>
    %rem3A_104 = arith.remsi %iota3A_85, %rem3A : vector<16x256xi32>
    %ne3A_105 = arith.constant 0 : i32
    %ne3A_106 = vector.broadcast %ne3A_105 : i32 to vector<16x256xi32>
    %ne3A_107 = arith.cmpi ne, %rem3A_104, %ne3A_106 : vector<16x256xi32>
    %and3A = arith.andi %ne3A_103, %ne3A_107 : vector<16x256xi1>
    %sub3A_108 = arith.constant 1 : i32
    %sub3A_109 = vector.broadcast %sub3A_108 : i32 to vector<16x256xi32>
    %sub3A_110 = arith.subi %div3A_87, %sub3A_109 : vector<16x256xi32>
    %select_n3A = arith.select %and3A, %sub3A_110, %div3A_87 : vector<16x256xi1>, vector<16x256xi32>
    %eq3A = arith.cmpi eq, %select_n3A, %iota3A : vector<16x256xi32>
    %jit3A_111 = arith.constant 1.000000e+00 : f32
    %jit3A_112 = arith.constant 0.000000e+00 : f32
    %broadcast_in_dim3A_113 = vector.broadcast %jit3A_111 : f32 to vector<16x256xf32>
    %broadcast_in_dim3A_114 = vector.broadcast %jit3A_112 : f32 to vector<16x256xf32>
    %select_n3A_115 = arith.select %eq3A, %broadcast_in_dim3A_113, %broadcast_in_dim3A_114 : vector<16x256xi1>, vector<16x256xf32>
    %dot_general3A_116 = arith.constant dense<0.000000e+00> : vector<16x1024xf32>
    %dot_general3A_117 = tpu.matmul %select_n3A_115, %sqrt3A_84, %dot_general3A_116 {dimension_numbers = #tpu.dot_dimension_numbers<[1], [0], [0], [1], [0, 0, 1, 1], [], []>, precision = #tpu.contract_precision<fp32>, transpose_lhs_hint = false} : vector<16x256xf32>, vector<256x1024xf32>, vector<16x1024xf32> -> vector<16x1024xf32>
    %mul3A_118 = arith.constant 6.250000e-02 : f32
    %mul3A_119 = vector.broadcast %mul3A_118 : f32 to vector<16x1024xf32>
    %mul3A_120 = arith.mulf %dot_general3A_117, %mul3A_119 : vector<16x1024xf32>
    %reduce_min3A = arith.constant dense<0x7F800000> : vector<1024xf32>
    %reduce_min3A_121 = vector.multi_reduction <minimumf>, %mul3A_120, %reduce_min3A [0] : vector<16x1024xf32> to vector<1024xf32>
    %broadcast_in_dim3A_122 = vector.shape_cast %reduce_min3A_121 : vector<1024xf32> to vector<1x1024xf32>
    %iota3A_123 = tpu.iota {dimensions = array<i32: 0>} : vector<16x1024xi32>
    %eq3A_124 = vector.broadcast %broadcast_in_dim3A_122 : vector<1x1024xf32> to vector<16x1024xf32>
    %eq3A_125 = arith.cmpf oeq, %mul3A_120, %eq3A_124 : vector<16x1024xf32>
    %jit3A_126 = arith.constant 16 : i32
    %broadcast_in_dim3A_127 = vector.broadcast %jit3A_126 : i32 to vector<16x1024xi32>
    %select_n3A_128 = arith.select %eq3A_125, %iota3A_123, %broadcast_in_dim3A_127 : vector<16x1024xi1>, vector<16x1024xi32>
    %reduce_min3A_129 = arith.constant dense<2147483647> : vector<1024xi32>
    %reduce_min3A_130 = vector.multi_reduction <minsi>, %select_n3A_128, %reduce_min3A_129 [0] : vector<16x1024xi32> to vector<1024xi32>
    %broadcast_in_dim3A_131 = vector.shape_cast %reduce_min3A_130 : vector<1024xi32> to vector<1x1024xi32>
    %swap3A = arith.constant 0 : index
    %swap3A_132 = arith.constant 0 : index
    %swap3A_133 = vector.load %arg2[%swap3A, %swap3A_132] : memref<1x1024xi32, #tpu.memory_space<vmem>>, vector<1x1024xi32>
    tpu.vector_store %arg2[%swap3A, %swap3A_132], %broadcast_in_dim3A_131 {strides = array<i32>} : memref<1x1024xi32, #tpu.memory_space<vmem>>, vector<1x1024xi32>,
    %dot_general3A_134 = arith.constant dense<0.000000e+00> : vector<16x256xf32>
    %dot_general3A_135 = tpu.matmul %select_n3A_115, %div3A_66, %dot_general3A_134 {dimension_numbers = #tpu.dot_dimension_numbers<[1], [0], [0], [1], [0, 0, 1, 1], [], []>, precision = #tpu.contract_precision<fp32>, transpose_lhs_hint = false} : vector<16x256xf32>, vector<256x256xf32>, vector<16x256xf32> -> vector<16x256xf32>
    %swap3A_136 = arith.constant 0 : index
    %swap3A_137 = arith.constant 0 : index
    %swap3A_138 = vector.load %arg3[%swap3A_136, %swap3A_137] : memref<16x256xf32, #tpu.memory_space<vmem>>, vector<16x256xf32>
    tpu.vector_store %arg3[%swap3A_136, %swap3A_137], %dot_general3A_135 {strides = array<i32>} : memref<16x256xf32, #tpu.memory_space<vmem>>, vector<16x256xf32>,
    %iota3A_139 = tpu.iota {dimensions = array<i32: 0>} : vector<256x1024xi32>
    %jit3A_140 = arith.constant 16 : i32
    %div3A_141 = vector.broadcast %jit3A_140 : i32 to vector<256x1024xi32>
    %div3A_142 = arith.divsi %iota3A_139, %div3A_141 : vector<256x1024xi32>
    %sign3A_143 = arith.constant 0 : i32
    %sign3A_144 = vector.broadcast %sign3A_143 : i32 to vector<256x1024xi32>
    %sign3A_145 = arith.cmpi sgt, %iota3A_139, %sign3A_144 : vector<256x1024xi32>
    %sign3A_146 = arith.extui %sign3A_145 : vector<256x1024xi1> to vector<256x1024xi32>
    %sign3A_147 = arith.constant 0 : i32
    %sign3A_148 = vector.broadcast %sign3A_147 : i32 to vector<256x1024xi32>
    %sign3A_149 = arith.cmpi slt, %iota3A_139, %sign3A_148 : vector<256x1024xi32>
    %sign3A_150 = arith.extui %sign3A_149 : vector<256x1024xi1> to vector<256x1024xi32>
    %sign3A_151 = arith.subi %sign3A_146, %sign3A_150 : vector<256x1024xi32>
    %sign3A_152 = arith.constant 0 : i32
    %sign3A_153 = arith.cmpi sgt, %jit3A_140, %sign3A_152 : i32
    %sign3A_154 = arith.extui %sign3A_153 : i1 to i32
    %sign3A_155 = arith.constant 0 : i32
    %sign3A_156 = arith.cmpi slt, %jit3A_140, %sign3A_155 : i32
    %sign3A_157 = arith.extui %sign3A_156 : i1 to i32
    %sign3A_158 = arith.subi %sign3A_154, %sign3A_157 : i32
    %ne3A_159 = vector.broadcast %sign3A_158 : i32 to vector<256x1024xi32>
    %ne3A_160 = arith.cmpi ne, %sign3A_151, %ne3A_159 : vector<256x1024xi32>
    %rem3A_161 = vector.broadcast %jit3A_140 : i32 to vector<256x1024xi32>
    %rem3A_162 = arith.remsi %iota3A_139, %rem3A_161 : vector<256x1024xi32>
    %ne3A_163 = arith.constant 0 : i32
    %ne3A_164 = vector.broadcast %ne3A_163 : i32 to vector<256x1024xi32>
    %ne3A_165 = arith.cmpi ne, %rem3A_162, %ne3A_164 : vector<256x1024xi32>
    %and3A_166 = arith.andi %ne3A_160, %ne3A_165 : vector<256x1024xi1>
    %sub3A_167 = arith.constant 1 : i32
    %sub3A_168 = vector.broadcast %sub3A_167 : i32 to vector<256x1024xi32>
    %sub3A_169 = arith.subi %div3A_142, %sub3A_168 : vector<256x1024xi32>
    %select_n3A_170 = arith.select %and3A_166, %sub3A_169, %div3A_142 : vector<256x1024xi1>, vector<256x1024xi32>
    %eq3A_171 = vector.broadcast %broadcast_in_dim3A_131 : vector<1x1024xi32> to vector<256x1024xi32>
    %eq3A_172 = arith.cmpi eq, %select_n3A_170, %eq3A_171 : vector<256x1024xi32>
    %div3A_173 = arith.constant 1.000000e+00 : f32
    %div3A_174 = vector.broadcast %div3A_173 : f32 to vector<256x1024xf32>
    %div3A_175 = arith.divf %div3A_174, %sqrt3A_84 : vector<256x1024xf32>
    %jit3A_176 = arith.constant 0.000000e+00 : f32
    %broadcast_in_dim3A_177 = vector.broadcast %jit3A_176 : f32 to vector<256x1024xf32>
    %select_n3A_178 = arith.select %eq3A_172, %div3A_175, %broadcast_in_dim3A_177 : vector<256x1024xi1>, vector<256x1024xf32>
    %add3A_179 = arith.constant 1.000000e-10 : f32
    %add3A_180 = vector.broadcast %add3A_179 : f32 to vector<256x1024xf32>
    %add3A_181 = arith.addf %select_n3A_178, %add3A_180 : vector<256x1024xf32>
    %log3A = math.log %add3A_181 : vector<256x1024xf32>
    %mul3A_182 = arith.mulf %select_n3A_178, %log3A : vector<256x1024xf32>
    %reduce_sum3A_183 = vector.shape_cast %mul3A_182 : vector<256x1024xf32> to vector<1x256x1024xf32>
    %reduce_sum3A_184 = arith.constant dense<0.000000e+00> : vector<1xf32>
    %reduce_sum3A_185 = vector.multi_reduction <add>, %reduce_sum3A_183, %reduce_sum3A_184 [1, 2] : vector<1x256x1024xf32> to vector<1xf32>
    %reduce_sum3A_186 = vector.shape_cast %reduce_sum3A_185 : vector<1xf32> to vector<1x1x1xf32>
    %reduce_sum3A_187 = vector.extract %reduce_sum3A_186[0, 0, 0] : f32 from vector<1x1x1xf32>
    %neg3A = arith.constant 0.000000e+00 : f32
    %neg3A_188 = arith.subf %neg3A, %reduce_sum3A_187 : f32
    %exp3A = math.exp %neg3A_188 : f32
    %broadcast_in_dim3A_189 = vector.broadcast %exp3A : f32 to vector<1x1xf32>
    %swap3A_190 = arith.constant 0 : index
    %swap3A_191 = arith.constant 0 : index
    %swap3A_192 = vector.load %arg4[%swap3A_190, %swap3A_191] : memref<1x1xf32, #tpu.memory_space<vmem>>, vector<1x1xf32>
    tpu.vector_store %arg4[%swap3A_190, %swap3A_191], %broadcast_in_dim3A_189 {strides = array<i32>} : memref<1x1xf32, #tpu.memory_space<vmem>>, vector<1x1xf32>,
    return
  }
}

</mosaic_0001>

<sc_bundles>
// kernel: kernel.4.cloned.1.call-start
scs
__scs_entry_jumppad:
0x0: {  	(pc) =	sbr.rel $0x88, $3  }
0x1: {  	(tag) =	ssettag $0x0;
	lr =	simm.s32 $0x1  }
0x2: {  	[smem:$0x3F9F] =	sst lr;
	_ =	strace $0xD0000000  }
0x3: {  	_ = 	snop  }
0x4: {  	_ = 	snop  }
0x5: {  	_ = 	snop  }
0x6: {  	_ = 	snop  }
0x7: {  	_ = 	snop  }
__scs_overlays_trampoline_lowered:
0x8: {  	[smem:$0x3FAE] =	sst s0  }
0x9: {  	[smem:$0x3FAF] =	sst s1  }
0xa: {  	[smem:$0x3FB0] =	sst s2  }
0xb: {  	[smem:$0x3FB1] =	sst s3  }
0xc: {  	[smem:$0x3FB2] =	sst s4  }
0xd: {  	[smem:$0x3FB3] =	sst s5  }
0xe: {  	[smem:$0x3FB4] =	sst s6  }
0xf: {  	[smem:$0x3FB5] =	sst s7  }
0x10: {  	[smem:$0x3FB6] =	sst s8  }
0x11: {  	[smem:$0x3FB7] =	sst s9;
	s0 =	simm.s32 @!p0 $0x0  }
0x12: {  	s1 =	sld [smem:$0x3F9D];
	s0 =	simm.s32 @p0 $0x1  }
0x13: {  	[smem:$0x3FB8] =	sst s0;
	s0 =	simm.s32 @!p1 $0x0  }
0x14: {  	s2 =	sld [smem:$0x3F9C];
	s0 =	simm.s32 @p1 $0x1  }
0x15: {  	[smem:$0x3FB9] =	sst s0;
	s0 =	simm.s32 @!p2 $0x0  }
0x16: {  	s3 =	sld [smem:$0x3FDB];
	s0 =	simm.s32 @p2 $0x1  }
0x17: {  	s4 =	simm.s32 $0x1BF5;
	[smem:$0x3FBB] =	sst s0  }
0x18: {  	s0 =	sld [smem:$0x3F9E];
	_ =	swait.ge [sflag:s4], $0x0  }
0x19: {  	s7 =	sld [smem:$0x3F9F]  }
0x1a: {  	s8 =	sadd.s32 $0xFFFFE003, lr  }
0x1b: {  	s9 =	sadd.s32 $0xFFFFFEF7, lr;
	s5 =	simm.s32 $0xFFFFFFFF;
	p2 =	slt.u32 s8, $0xFFFFF086  }
0x1c: {  	p1 =	slt.u32 s9, $0xF7A;
	s5 =	simm.s32 @!p2 $0x0  }
0x1d: {  	s5 =	simm.s32 @p1 $0x1;
	p0 =	seq.s32 s7, s2  }
0x1e: {  	s7 =	smul.u32 @!p0 $0xF7A, s2;
	p2 =	seq.s32 @!p0 s5, $0x0  }
0x1f: {  	s9 =	smul.u32 $0xF7A, s1;
	s8 =	simm.s32 @!p0 $0x1BF5;
	p2 =	por !p2, p0  }
0x20: {  	[sflag:s8] =	ssyncset.s32 @!p0 $0xFFFFF086;
	s6 =	sadd.s32 @!p0 s3, s7;
	s7 =	simm.s32 @!p0 $0x108  }
0x21: {  	s3 =	sadd.s32 s3, s9;
	s6 =	sadd.s32 @!p0 $0x88, s6;
	s7 =	simm.s32 @p2 $0x1082  }
0x22: {  	[simem:s7], [sflag:s8] =	dma.local @!p0 [hbm:s6], $0xF7A  }
0x23: {  	s9 =	sor.u32 $0xD0000000, s2;
	s6 =	simm.s32 $0x108;
	_ =	swait.ge @!p0 [sflag:s8], $0x0  }
0x24: {  	s3 =	sadd.s32 $0x88, s3;
	s6 =	simm.s32 @!p1 $0x1082;
	[sflag:s4] =	ssyncset.s32 $0xFFFFF086  }
0x25: {  	[simem:s6], [sflag:s4] =	dma.local [hbm:s3], $0xF7A  }
0x26: {  	[smem:$0x3F9F] =	sst s1;
	(tag) =	ssettag s2;
	_ =	strace s9  }
0x27: {  	s1 =	sld [smem:$0x3FAF]  }
0x28: {  	s2 =	sld [smem:$0x3FB0]  }
0x29: {  	s4 =	sld [smem:$0x3FB2]  }
0x2a: {  	p0 =	seq.s32 s5, $0x0;
	s5 =	sld [smem:$0x3FB3]  }
0x2b: {  	s6 =	sld [smem:$0x3FB4]  }
0x2c: {  	s7 =	sld [smem:$0x3FB5]  }
0x2d: {  	s3 =	simm.s32 $0x108;
	s8 =	sld [smem:$0x3FB6]  }
0x2e: {  	s3 =	simm.s32 @!p0 $0x1082;
	s9 =	sld [smem:$0x3FB7]  }
0x2f: {  	lr =	sadd.s32 s0, s3;
	s0 =	sld [smem:$0x3FAE]  }
0x30: {  	s3 =	sld [smem:$0x3FB1]  }
0x31: {  	[smem:$0x3FBA] =	sst s10  }
0x32: {  	s10 =	sld [smem:$0x3FB8];
	_ =	sdelay $0x3  }
0x33: {  	p0 =	seq.s32 s10, $0x1;
	s10 =	sld [smem:$0x3FBA];
	_ =	sdelay $0x3  }
0x34: {  	[smem:$0x3FBA] =	sst s10  }
0x35: {  	s10 =	sld [smem:$0x3FB9];
	_ =	sdelay $0x3  }
0x36: {  	p1 =	seq.s32 s10, $0x1;
	s10 =	sld [smem:$0x3FBA];
	_ =	sdelay $0x3  }
0x37: {  	[smem:$0x3FBA] =	sst s10  }
0x38: {  	s10 =	sld [smem:$0x3FBB]  }
0x39: {  	_ = 	snop;
	(pc) =	sbr.ind lr, $3  }
0x3a: {  	_ = 	snop  }
0x3b: {  	_ = 	snop  }
0x3c: {  	p2 =	seq.s32 s10, $0x1;
	s10 =	sld [smem:$0x3FBA]  }
0x3d: {  	_ =	shalt  }
0x3e: {  	_ =	shalt  }
0x3f: {  	_ =	shalt  }
0x40: {  	_ =	shalt  }
0x41: {  	_ =	shalt  }
0x42: {  	_ =	shalt  }
0x43: {  	_ =	shalt  }
0x44: {  	_ =	shalt  }
0x45: {  	_ =	shalt  }
0x46: {  	_ =	shalt  }
0x47: {  	_ =	shalt  }
0x48: {  	_ =	shalt  }
0x49: {  	_ =	shalt  }
0x4a: {  	_ =	shalt  }
0x4b: {  	_ =	shalt  }
0x4c: {  	_ =	shalt  }
0x4d: {  	_ =	shalt  }
0x4e: {  	_ =	shalt  }
0x4f: {  	_ =	shalt  }
0x50: {  	_ =	shalt  }
0x51: {  	_ =	shalt  }
0x52: {  	_ =	shalt  }
0x53: {  	_ =	shalt  }
0x54: {  	_ =	shalt  }
0x55: {  	_ =	shalt  }
0x56: {  	_ =	shalt  }
0x57: {  	_ =	shalt  }
0x58: {  	_ =	shalt  }
0x59: {  	_ =	shalt  }
0x5a: {  	_ =	shalt  }
0x5b: {  	_ =	shalt  }
0x5c: {  	_ =	shalt  }
0x5d: {  	_ =	shalt  }
0x5e: {  	_ =	shalt  }
0x5f: {  	_ =	shalt  }
0x60: {  	_ =	shalt  }
0x61: {  	_ =	shalt  }
0x62: {  	_ =	shalt  }
0x63: {  	_ =	shalt  }
0x64: {  	_ =	shalt  }
0x65: {  	_ =	shalt  }
0x66: {  	_ =	shalt  }
0x67: {  	_ =	shalt  }
0x68: {  	_ =	shalt  }
0x69: {  	_ =	shalt  }
0x6a: {  	_ =	shalt  }
0x6b: {  	_ =	shalt  }
0x6c: {  	_ =	shalt  }
0x6d: {  	_ =	shalt  }
0x6e: {  	_ =	shalt  }
0x6f: {  	_ =	shalt  }
0x70: {  	_ =	shalt  }
0x71: {  	_ =	shalt  }
0x72: {  	_ =	shalt  }
0x73: {  	_ =	shalt  }
0x74: {  	_ =	shalt  }
0x75: {  	_ =	shalt  }
0x76: {  	_ =	shalt  }
0x77: {  	_ =	shalt  }
0x78: {  	_ =	shalt  }
0x79: {  	_ =	shalt  }
0x7a: {  	_ =	shalt  }
0x7b: {  	_ =	shalt  }
0x7c: {  	_ =	shalt  }
0x7d: {  	_ =	shalt  }
0x7e: {  	_ =	shalt  }
0x7f: {  	_ =	shalt  }
0x80: {  	_ =	shalt  }
0x81: {  	_ =	shalt  }
0x82: {  	_ =	shalt  }
0x83: {  	_ =	shalt  }
0x84: {  	_ =	shalt  }
0x85: {  	_ =	shalt  }
0x86: {  	_ =	shalt  }
0x87: {  	_ =	shalt  }
.Lfunc_end0:
.L_simem_size_0:
called_computation_lowered:
.L_overlay_start_0:
0x88: {  	s2 =	sld [smem:$0x3FD9]  }
0x89: {  	s3 =	sld [smem:$0x3FFE];
	_ =	sdelay $0x1  }
0x8a: {  	s1 =	srdreg.scid  }
0x8b: {  	s0 =	sand.u32 $0x1, s1  }
0x8c: {  	s14 =	sshll.u32 s0, $0xA;
	s2 =	sadd.s32 s3, s2  }
0x8d: {  	s2 =	sadd.s32 s2, s14  }
0x8e: {  	[smem:$0x3FC6] =	sst s2  }
0x8f: {  	_ = 	snop  }
0x90: {  	s2 =	sld [smem:$0x3FD0];
	_ =	sdelay $0x2  }
0x91: {  	s15 =	simm.s32 $0xA;
	s4 =	simm.s32 $0x10  }
0x92: {  	[smem:s4], [sflag:s15] =	dma.local [hbm:s2], $0x1  }
0x93: {  	_ =	swait.eq [sflag:s15], $0x1  }
0x94: {  	[sflag:s15] =	ssyncset.done $0x0  }
0x95: {  	[sflag:s15] =	ssyncadd.s32 $0xFFFFFFFF  }
0x96: {  	s16 =	sld [smem:$0x10];
	(tm) =	ssettm $0x1  }
0x97: {  	s17 =	sld [smem:$0x3FFB];
	_ =	sdelay $0x3  }
0x98: {  	_ =	strace s17  }
0x99: {  	s3 =	sld [smem:$0x3FFC];
	_ =	sdelay $0x3  }
0x9a: {  	_ =	strace s3  }
0x9b: {  	s3 =	sld [smem:$0x3FFD];
	_ =	sdelay $0x3  }
0x9c: {  	_ =	strace s3  }
0x9d: {  	_ =	strace $0x8FFFFFFF  }
0x9e: {  	s18 =	sld [smem:$0x3FDB];
	_ =	sdelay $0x1  }
0x9f: {  	s19 =	simm.s32 $_scs_section_size  }
0xa0: {  	s5 =	simm.s32 $_size__tile_overlayer_lowered;
	s6 =	simm.s32 $_tile_overlayer_lowered  }
0xa1: {  	s22 =	simm.s32 $0x1BFF;
	s21 =	sshll.u32 s6, $0x1;
	s3 =	sadd.s32 s19, s18  }
0xa2: {  	s7 =	simm.s32 $0x0;
	s20 =	sshll.u32 s5, $0x1;
	s5 =	sadd.s32 s21, s3  }
0xa3: {  	[timem:s7], [sflag:s22] =	dma.local [hbm:s5], s20  }
0xa4: {  	_ =	swait.ge [sflag:s22], s20  }
0xa5: {  	s4 =	ssub.s32 $0x0, s20;
	[sflag:s22] =	ssyncset.done $0x0  }
0xa6: {  	[sflag:s22] =	ssyncadd.s32 s4;
	_ =	sdelay $0x1  }
0xa7: {  	s23 =	simm.s32 $0x1B8B  }
0xa8: {  	_ =	swait.ge [sflag:s23], $0x1  }
0xa9: {  	[sflag:s23] =	ssyncset.done $0x0  }
0xaa: {  	s25 =	simm.s32 $0x1B8E;
	s24 =	sld [smem:$0x3FFE];
	[sflag:s23] =	ssyncadd.s32 $0xFFFFFFFF  }
0xab: {  	s26 =	simm.s32 $execute0_lowered;
	[smem:$0x3FD2] =	sst s25  }
0xac: {  	s5 =	sshll.u32 s26, $0x1;
	_ =	strace $0x80000046;
	[dreg:$0x1] =	wrdreg $0xFFFFFFFF  }
0xad: {  	s28 =	simm.s32 $_size_execute0_lowered;
	s3 =	sadd.s32 s3, s5;
	[dreg:$0x0] =	wrdreg $0x0  }
0xae: {  	s5 =	sshll.u32 s28, $0x1;
	[dreg:$0x2] =	wrdreg s3  }
0xaf: {  	[dreg:$0x3] =	wrdreg s5  }
0xb0: {  	[dreg:$0x4] =	wrdreg $0xC0  }
0xb1: {  	_ =	task [dreg:s7], $0x5FFFF  }
0xb2: {  	[dreg:$0x1] =	wrdreg $0xFFFFFFFF  }
0xb3: {  	[dreg:$0x0] =	wrdreg $0x60  }
0xb4: {  	[dreg:$0x2] =	wrdreg s24  }
0xb5: {  	[dreg:$0x3] =	wrdreg s16  }
0xb6: {  	[dreg:$0x4] =	wrdreg $0x9  }
0xb7: {  	_ =	task.clear_ibuf [dreg:s7], $0x5FFFF;
	_ =	strace $0x90000046  }
0xb8: {  	s29 =	simm.s32 $0x9;
	_ =	strace $0x80000048  }
0xb9: {  	_ =	swait.ge [sflag:s29], $0x1  }
0xba: {  	[sflag:s29] =	ssyncadd.s32 $0xFFFFFFFF  }
0xbb: {  	_ =	strace $0x90000048  }
0xbc: {  	_ =	sfence  }
0xbd: {  	s30 =	sld [smem:$0x0];
	_ =	sdelay $0x2  }
0xbe: {  	s31 =	sshll.u32 s1, $0xD;
	s1 =	sshrl.u32 s1, $0x2  }
0xbf: {  	s3 =	sand.u32 $0x4000, s31;
	s1 =	sadd.s32 s1, s30  }
0xc0: {  	s0 =	sor.u32 s3, s0;
	s1 =	sshll.u32 s1, $0x11  }
0xc1: {  	s0 =	sor.u32 s1, s0  }
0xc2: {  	s0 =	sadd.s32 $0x8F2B, s0  }
0xc3: {  	[sflag:s0] =	ssyncadd.remote.s32 $0x1  }
0xc4: {  	_ =	sfence.sel $0xFFFF  }
0xc5: {  	[dreg:$0x0] =	wrdreg $0xFFFFFFFF;
	(pc) =	sbr.abs _section_cstart, $3  }
0xc6: {  	[dreg:$0x1] =	wrdreg $0xFFFFFFFF  }
0xc7: {  	_ =	task.clear_ibuf [dreg:s7], $0x2FFFF;
	_ =	strace $0x9FFFFFFF  }
0xc8: {  	(tm) =	ssettm $0x7FFFFFFF  }
0xc9: {  	_ =	shalt  }
tec
execute0_lowered:
.L_overlay_start_1:
0x0: {  	(tag) =	ssettag $0x1  }
0x1: {  	s4 =	rddreg [dreg:$0x0]  }
0x2: {  	s5 =	rddreg [dreg:$0x1]  }
0x3: {  	s0 =	rddreg [dreg:$0x2];
	s2 =	simm.s32 $0x0;
	s3 =	srdreg.scid  }
0x4: {  	s1 =	stileid.u32;
	s10 =	simm.s32 $0x880;
	s11 =	simm.s32 $0x1080  }
0x5: {  	s12 =	simm.s32 $0x1880;
	s13 =	simm.s32 $0x1;
	s14 =	simm.s32 $0x2  }
0x6: {  	s15 =	simm.s32 $0x3;
	s16 =	simm.s32 $0x4;
	s6 =	sand.u32 $0x1, s3  }
0x7: {  	[smem:$0x7FF] =	sst s2;
	s7 =	sshll.u32 s1, $0x6;
	s8 =	sshll.u32 s6, $0x5  }
0x8: {  	s3 =	sadd.s32 $0xE00, s4;
	s6 =	ssub.s32 $0x2, s6;
	s7 =	sor.u32 s8, s7  }
0x9: {  	_ =	strace $0x80000047;
	s9 =	sshrl.u32 s6, $0x1;
	s8 =	sshrl.u32 s7, $0x3  }
0xa: {  	v2 =	vlaneseq.u32;
	s7 =	sshll.u32 s7, $0x5;
	s9 =	ssub.s32 s6, s9;
	s8 =	sadd.s32 s8, s4  }
0xb: {  	vm0 =	vmmov $0xffff;
	v1 =	vshrl.u32 v2, $0x3;
	s4 =	sadd.s32 s5, s7;
	s7 =	smax.u32 s9, $0x1;
	s9 =	simm.s32 $0x80  }
0xc: {  	v0 =	vand.u32 $0x7, v2;
	v2 =	vor.u32 $0x8, v2;
	v1 =	vmul.u32 $0x8, v1;
	s5 =	sadd.s32 $0x1000, s8;
	s6 =	sadd.s32 $0x200, s4;
	s8 =	simm.s32 $0x5  }
.LBB2_1:
0xd: {  	[tilespmem:s2], [sflag:$0x5] =	stream.linear.gather [hbm4b:s5+s2], $0x20, $0x38;
	[tilespmem:$0x2080] =	vst v63  }
0xe: {  	_ =	swait.ge [sflag:s8], $0x20  }
0xf: {  	[sflag:s8] =	ssyncset.done $0x0  }
0x10: {  	[sflag:s8] =	ssyncadd.s32 $0xFFFFFFE0  }
0x11: {  	v3 =	vld [tilespmem:$0x0];
	_ =	sdelay $0x4  }
0x12: {  	v4 =	vshll.u32 v3, $0x1  }
0x13: {  	v3 =	vand.u32 $0x7, v3;
	v4 =	vand.u32 $0xFFFFFFF0, v4  }
0x14: {  	v3 =	vor.u32 v3, v4  }
0x15: {  	v4 =	vperm.xlane v3, v0;
	_ =	sdelay $0x1  }
0x16: {  	v3 =	vperm.xlane v3, v2;
	v4 =	vadd.s32 v1, v4;
	_ =	sdelay $0x1  }
0x17: {  	v3 =	vadd.s32 v1, v3;
	_ =	sdelay $0x2  }
0x18: {  	[tilespmem:s9], [sflag:$0x1] =	stream.indirect_vreg.gather [hbm4b:s3+s2], $0x80, v4, vm0, $0xb8;
	[tilespmem:$0x2080] =	vst v63  }
0x19: {  	_ = 	snop  }
0x1a: {  	[tilespmem:s10], [sflag:$0x1] =	stream.indirect_vreg.gather [hbm4b:s3+s2], $0x80, v3, vm0, $0xb8;
	[tilespmem:$0x2080] =	vst v63  }
0x1b: {  	v3 =	vld [tilespmem:$0x10];
	_ =	sdelay $0x4  }
0x1c: {  	v63 =	vshll.u32 v3, $0x1  }
0x1d: {  	v3 =	vand.u32 $0x7, v3;
	v4 =	vand.u32 $0xFFFFFFF0, v63  }
0x1e: {  	v3 =	vor.u32 v3, v4  }
0x1f: {  	v4 =	vperm.xlane v3, v0;
	_ =	sdelay $0x1  }
0x20: {  	v3 =	vperm.xlane v3, v2;
	v4 =	vadd.s32 v1, v4;
	_ =	sdelay $0x1  }
0x21: {  	v3 =	vadd.s32 v1, v3;
	_ =	sdelay $0x2  }
0x22: {  	[tilespmem:s11], [sflag:$0x2] =	stream.indirect_vreg.gather [hbm4b:s3+s2], $0x80, v4, vm0, $0xb8;
	[tilespmem:$0x2080] =	vst v63  }
0x23: {  	_ = 	snop  }
0x24: {  	[tilespmem:s12], [sflag:$0x2] =	stream.indirect_vreg.gather [hbm4b:s3+s2], $0x80, v3, vm0, $0xb8;
	[tilespmem:$0x2080] =	vst v63  }
0x25: {  	_ =	swait.ge [sflag:s13], $0x1000  }
0x26: {  	[sflag:s13] =	ssyncset.done $0x0  }
0x27: {  	[sflag:s13] =	ssyncadd.s32 $0xFFFFF000  }
0x28: {  	[hbm4b:s4+s2] =	stream.linear.scatter [tilespmem:s9], [sflag:$0x3], $0x1000, $0x38;
	[tilespmem:$0x2080] =	vst v63  }
0x29: {  	_ =	swait.ge [sflag:s14], $0x1000  }
0x2a: {  	[sflag:s14] =	ssyncset.done $0x0  }
0x2b: {  	[sflag:s14] =	ssyncadd.s32 $0xFFFFF000  }
0x2c: {  	[hbm4b:s6+s2] =	stream.linear.scatter [tilespmem:s11], [sflag:$0x4], $0x1000, $0x38;
	[tilespmem:$0x2080] =	vst v63  }
0x2d: {  	p0 =	sne.s32 s7, $0x1;
	_ =	swait.ge [sflag:s15], $0x1000  }
.Ltmp0:
0x2e: {  	[sflag:s15] =	ssyncset.done $0x0;
	(pc) =	sbr.rel @p0 .LBB2_1-.Ltmp0, $4  }
0x2f: {  	[sflag:s15] =	ssyncadd.s32 $0xFFFFF000  }
0x30: {  	_ =	swait.ge [sflag:s16], $0x1000  }
0x31: {  	[sflag:s16] =	ssyncset.done $0x0  }
0x32: {  	s7 =	sadd.s32 $0xFFFFFFFF, s7;
	[sflag:s16] =	ssyncadd.s32 $0xFFFFF000  }
0x33: {  	_ =	sfence.sel $0x180000  }
0x34: {  	[bflag:$0x0] =	sbarrier.arrive $0xFFFF  }
0x35: {  	p0 =	sne.s32 s1, $0x0;
	_ =	strace $0x90000047  }
0x36: {  	s0 =	sadd.s32 @!p0 $0x100000, s0;
	[bflag:$0x2] =	sbarrier.arrive $0xFFFF  }
0x37: {  	[sflag:s0] =	ssyncadd.tile.s32 @!p0 $0x1;
	_ =	shalt  }
.Lfunc_end2:
_tile_overlayer_lowered:
.L_overlay_start_2:
0x38: {  	(tag) =	ssettag $0x2  }
0x39: {  	s0 =	rddreg [dreg:$0x0];
	s2 =	stileid.u32  }
0x3a: {  	s1 =	rddreg [dreg:$0x1];
	p0 =	sne.s32 s2, $0x0  }
0x3b: {  	s3 =	rddreg [dreg:$0x2];
	[bflag:$0x3] =	sbarrier.arrive $0xFFFF;
	s2 =	simm.s32 @!p0 $0x1C05  }
0x3c: {  	[timem:s3], [sflag:s2] =	dma.local @!p0 [hbm:s0], s1  }
0x3d: {  	s0 =	simm.s32 @!p0 $0x5  }
0x3e: {  	_ =	swait.ge @!p0 [sflag:s0], s1  }
0x3f: {  	s1 =	ssub.s32 @!p0 $0x0, s1;
	[sflag:s0] =	ssyncset.done @!p0 $0x0  }
0x40: {  	[sflag:s0] =	ssyncadd.s32 @!p0 s1  }
0x41: {  	[bflag:$0x3] =	sbarrier.arrive $0xFFFF  }
0x42: {  	_ =	shalt  }

</sc_bundles>
